<compile_context>
chip_gen: v7x
topology: tpu7x:2x2x1
jax: 0.10.2.dev20260603
libtpu: 0.0.44.dev20260713+nightly
codegen_flags: <defaults>
</compile_context>

<pallas_src>
import functools

import jax
import jax.numpy as jnp
from jax import lax
from jax.experimental import pallas as pl
from jax.experimental.pallas import tpu as pltpu
from jax.experimental.pallas import tpu_sc as plsc

_RATIO = 0.05
_BETA = 0.99
_WEIGHT1 = (1.0 - _BETA) / (1.0 - _BETA ** _RATIO)
_LN2 = 0.6931471805599453

_C0 = 0.0013345392396443279
_C1 = 1.4134853901928495
_C2 = -0.567752150393241
_C3 = 0.15391353466591073

_NUM_WORKERS = 32
_LANES = 16
_VPB = 4

_SC_ROWS = 128
_TC_BM = 496



def _log2_weighted_accum(p, t, a1, a2):
    d = p - t
    x = jnp.float32(1.0) - jnp.abs(d)
    u = lax.bitcast_convert_type(x, jnp.int32)
    ef = lax.shift_right_logical(u, 23).astype(jnp.float32)
    mi = (u & jnp.int32(0x7FFFFF)) | jnp.int32(0x3F800000)
    r = lax.bitcast_convert_type(mi, jnp.float32) - jnp.float32(1.0)
    poly = jnp.float32(_C2) + r * jnp.float32(_C3)
    poly = jnp.float32(_C1) + r * poly
    poly = jnp.float32(_C0 - 127.0) + r * poly
    s = ef + poly
    return a1 + s, a2 + t * s


def _sc_body(p_hbm, t_hbm, out_hbm, pbuf, tbuf, obuf, sp, st,
             *, first_row, block_rows, block_cols, col_groups):
    wid = lax.axis_index("s") * 2 + lax.axis_index("c")
    row_group = lax.div(wid, col_groups)
    col_group = lax.rem(wid, col_groups)
    base_row = first_row + row_group * block_rows
    base_col = col_group * block_cols

    cp = pltpu.async_copy(
        p_hbm.at[pl.ds(base_row, block_rows), pl.ds(base_col, block_cols)],
        pbuf, sp,
    )
    ct = pltpu.async_copy(
        t_hbm.at[pl.ds(base_row, block_rows), pl.ds(base_col, block_cols)],
        tbuf, st,
    )
    cp.wait()
    ct.wait()

    vregs_per_row = block_cols // _LANES
    row_shift = 0
    while (1 << row_shift) < vregs_per_row:
        row_shift += 1
    col_mask = vregs_per_row - 1

    zero = jnp.zeros((_LANES,), jnp.float32)
    accs = ((zero,) * _VPB, (zero,) * _VPB)

    def body(i, carry):
        a1s, a2s = carry
        n1, n2 = [], []
        for j in range(_VPB):
            g = i * _VPB + j
            row = lax.shift_right_logical(g, row_shift)
            col = (g & col_mask) * _LANES
            p = pbuf[row, pl.ds(col, _LANES)]
            t = tbuf[row, pl.ds(col, _LANES)]
            r1, r2 = _log2_weighted_accum(p, t, a1s[j], a2s[j])
            n1.append(r1)
            n2.append(r2)
        return (tuple(n1), tuple(n2))

    n_vregs = block_rows * vregs_per_row
    accs = plsc.parallel_loop(
        0, n_vregs // _VPB, 1, unroll=2, carry=accs
    )(body)

    a1 = accs[0][0] + accs[0][1] + accs[0][2] + accs[0][3]
    a2 = accs[1][0] + accs[1][1] + accs[1][2] + accs[1][3]
    obuf[pl.ds(0, _LANES)] = a1
    obuf[pl.ds(_LANES, _LANES)] = a2
    pltpu.sync_copy(obuf.at[pl.ds(0, _LANES)], out_hbm.at[pl.ds(wid * _LANES, _LANES)])
    pltpu.sync_copy(
        obuf.at[pl.ds(_LANES, _LANES)],
        out_hbm.at[pl.ds((_NUM_WORKERS + wid) * _LANES, _LANES)],
    )


def _sc_partial_sums(y_pred, y_true, first_row, sc_rows):
    _, cols = y_pred.shape
    block_rows = 8
    row_groups = sc_rows // block_rows
    col_groups = _NUM_WORKERS // row_groups
    block_cols = cols // col_groups
    mesh = plsc.VectorSubcoreMesh(core_axis_name="c", subcore_axis_name="s")
    body = functools.partial(
        _sc_body, first_row=first_row, block_rows=block_rows,
        block_cols=block_cols, col_groups=col_groups,
    )
    return pl.kernel(
        body,
        out_type=jax.ShapeDtypeStruct((2 * _NUM_WORKERS * _LANES,), jnp.float32),
        mesh=mesh,
        compiler_params=pltpu.CompilerParams(use_tc_tiling_on_sc=True),
        scratch_types=[
            pltpu.VMEM((block_rows, block_cols), jnp.float32),
            pltpu.VMEM((block_rows, block_cols), jnp.float32),
            pltpu.VMEM((2 * _LANES,), jnp.float32),
            pltpu.SemaphoreType.DMA,
            pltpu.SemaphoreType.DMA,
        ],
    )(y_pred, y_true)



def _tc_block_kernel(p_ref, t_ref, out_ref, acc_ref):
    p = p_ref[...]
    t = t_ref[...]
    mask = t >= jnp.float32(0.9999)
    x = jnp.where(mask, p, jnp.float32(1.0) - p)
    w = jnp.where(mask, jnp.float32(_WEIGHT1 * _LN2), jnp.float32(_LN2))
    partial = jnp.sum(w * jnp.log2(x))

    i = pl.program_id(0)

    @pl.when(i == 0)
    def _init():
        acc_ref[0] = jnp.float32(0.0)

    acc_ref[0] += partial

    @pl.when(i == pl.num_programs(0) - 1)
    def _finalize():
        out_ref[0] = acc_ref[0]


def _tc_partial_sum(y_pred, y_true, tc_rows):
    _, n = y_pred.shape
    out = pl.pallas_call(
        _tc_block_kernel,
        grid=(tc_rows // _TC_BM,),
        in_specs=[
            pl.BlockSpec((_TC_BM, n), lambda i: (i, 0)),
            pl.BlockSpec((_TC_BM, n), lambda i: (i, 0)),
        ],
        out_specs=pl.BlockSpec(memory_space=pltpu.SMEM),
        out_shape=jax.ShapeDtypeStruct((1,), jnp.float32),
        scratch_shapes=[pltpu.SMEM((1,), jnp.float32)],
    )(y_pred, y_true)
    return out[0]


def kernel(y_pred, y_true):
    m, n = y_pred.shape
    total = m * n
    tc_rows = m - _SC_ROWS

    tc_sum = _tc_partial_sum(y_pred, y_true, tc_rows)
    sc_partials = _sc_partial_sums(y_pred, y_true, tc_rows, _SC_ROWS)

    s_all = jnp.sum(sc_partials[: _NUM_WORKERS * _LANES])
    s_pos = jnp.sum(sc_partials[_NUM_WORKERS * _LANES:])
    sc_sum = _LN2 * (s_all + jnp.float32(_WEIGHT1 - 1.0) * s_pos)
    return -(tc_sum + sc_sum) / total

# --- scband reference (transcript-rebuilt; emitter-appended) ---
"""Pipeline reference for scband-cbbce-20701742367068 (READ-ONLY COPY).

The authoritative reference and input builder live on the scoring server;
editing this copy changes nothing except your own understanding.
"""

import jax, jax.numpy as jnp
import numpy as np

RATIO = 0.05
BETA = 0.99
WEIGHT1 = (1.0 - BETA) / (1.0 - BETA ** RATIO)


def setup_inputs(seed: int = 0) -> dict:
    key = jax.random.key(seed)
    k1, k2 = jax.random.split(key)
    # y_pred: post-sigmoid probabilities in (0, 1)
    y_pred = jax.random.uniform(k1, (4096, 2048), dtype=jnp.float32, minval=1e-6, maxval=1.0 - 1e-6)
    # y_true: binary targets with ~5% positive rate (matches ratio init arg)
    y_true = (jax.random.uniform(k2, (4096, 2048), dtype=jnp.float32) < 0.05).astype(jnp.float32)
    return {"y_pred": y_pred, "y_true": y_true}


def reference(y_pred, y_true):
    # F.binary_cross_entropy(reduction='none') with torch's log clamp at -100
    log_p = jnp.clip(jnp.log(y_pred), -100.0, None)
    log_1mp = jnp.clip(jnp.log1p(-y_pred), -100.0, None)
    nll2 = -(y_true * log_p + (1.0 - y_true) * log_1mp)
    # index_put_ on positions where y_true >= 0.9999 with weight1 * nll
    mask = y_true >= 0.9999
    nll2 = jnp.where(mask, WEIGHT1 * nll2, nll2)
    loss = jnp.mean(nll2)
    return loss

if __name__ == "__main__":
    import jax
    _d = setup_inputs()
    print(jax.jit(kernel)(*tuple(_d.values())))

</pallas_src>

<mosaic_0001>
#map = affine_map<(d0, d1) -> (0, 0)>
#map1 = affine_map<(d0, d1) -> (0)>
module attributes {stable_mosaic.version = 14 : i64} {
  func.func @_sc_body(%arg0: i32, %arg1: i32, %arg2: memref<4096x2048xf32, #tpu.memory_space<hbm>>, %arg3: memref<4096x2048xf32, #tpu.memory_space<hbm>>, %arg4: memref<1024xf32, #tpu.memory_space<hbm>>, %arg5: memref<8x1024xf32, #tpu.memory_space<vmem>>, %arg6: memref<8x1024xf32, #tpu.memory_space<vmem>>, %arg7: memref<32xf32, #tpu.memory_space<vmem>>, %arg8: memref<!tpu.dma_semaphore, #tpu.memory_space<semaphore_mem>>, %arg9: memref<!tpu.dma_semaphore, #tpu.memory_space<semaphore_mem>>) attributes {dimension_semantics = [#tpu.dimension_semantics<core_parallel>, #tpu.dimension_semantics<subcore_parallel>], iteration_bounds = array<i64: 2, 16>, scalar_prefetch = 0 : i64, scratch_operands = 5 : i64, tpu.core_type = #tpu.core_type<sc_vector_subcore>, window_params = [{transform_indices = #map}, {transform_indices = #map}, {transform_indices = #map1}]} {
    %mul3A = arith.constant 2 : i32
    %mul3A_0 = arith.muli %arg1, %mul3A : i32
    %add3A = arith.addi %mul3A_0, %arg0 : i32
    %div3A = arith.constant 2 : i32
    %div3A_1 = arith.divsi %add3A, %div3A : i32
    %rem3A = arith.constant 2 : i32
    %rem3A_2 = arith.remsi %add3A, %rem3A : i32
    %mul3A_3 = arith.constant 8 : i32
    %mul3A_4 = arith.muli %div3A_1, %mul3A_3 : i32
    %add3A_5 = arith.constant 3968 : i32
    %add3A_6 = arith.addi %add3A_5, %mul3A_4 : i32
    %mul3A_7 = arith.constant 1024 : i32
    %mul3A_8 = arith.muli %rem3A_2, %mul3A_7 : i32
    %dma_start3A = tpu.memref_slice %arg2[%add3A_6, %mul3A_8] : memref<4096x2048xf32, #tpu.memory_space<hbm>> -> memref<8x1024xf32, #tpu.memory_space<hbm>>
    %dma_start3A_9 = tpu.memref_slice %arg2[%add3A_6, %mul3A_8] : memref<4096x2048xf32, #tpu.memory_space<hbm>> -> memref<8x1024xf32, #tpu.memory_space<hbm>>
    tpu.enqueue_dma source(%dma_start3A_9 : memref<8x1024xf32, #tpu.memory_space<hbm>>) target(%arg5 : memref<8x1024xf32, #tpu.memory_space<vmem>>) target_semaphore(%arg8 : memref<!tpu.dma_semaphore, #tpu.memory_space<semaphore_mem>>)
    %dma_start3A_10 = tpu.memref_slice %arg3[%add3A_6, %mul3A_8] : memref<4096x2048xf32, #tpu.memory_space<hbm>> -> memref<8x1024xf32, #tpu.memory_space<hbm>>
    %dma_start3A_11 = tpu.memref_slice %arg3[%add3A_6, %mul3A_8] : memref<4096x2048xf32, #tpu.memory_space<hbm>> -> memref<8x1024xf32, #tpu.memory_space<hbm>>
    tpu.enqueue_dma source(%dma_start3A_11 : memref<8x1024xf32, #tpu.memory_space<hbm>>) target(%arg6 : memref<8x1024xf32, #tpu.memory_space<vmem>>) target_semaphore(%arg9 : memref<!tpu.dma_semaphore, #tpu.memory_space<semaphore_mem>>)
    %dma_wait3A = tpu.memref_slice %arg2[%add3A_6, %mul3A_8] : memref<4096x2048xf32, #tpu.memory_space<hbm>> -> memref<8x1024xf32, #tpu.memory_space<hbm>>
    %dma_wait3A_12 = tpu.memref_slice %arg2[%add3A_6, %mul3A_8] : memref<4096x2048xf32, #tpu.memory_space<hbm>> -> memref<8x1024xf32, #tpu.memory_space<hbm>>
    tpu.wait_dma2 semaphore(%arg8 : memref<!tpu.dma_semaphore, #tpu.memory_space<semaphore_mem>>) src(%dma_wait3A_12 : memref<8x1024xf32, #tpu.memory_space<hbm>>) dst(%arg5 : memref<8x1024xf32, #tpu.memory_space<vmem>>)
    %dma_wait3A_13 = tpu.memref_slice %arg3[%add3A_6, %mul3A_8] : memref<4096x2048xf32, #tpu.memory_space<hbm>> -> memref<8x1024xf32, #tpu.memory_space<hbm>>
    %dma_wait3A_14 = tpu.memref_slice %arg3[%add3A_6, %mul3A_8] : memref<4096x2048xf32, #tpu.memory_space<hbm>> -> memref<8x1024xf32, #tpu.memory_space<hbm>>
    tpu.wait_dma2 semaphore(%arg9 : memref<!tpu.dma_semaphore, #tpu.memory_space<semaphore_mem>>) src(%dma_wait3A_14 : memref<8x1024xf32, #tpu.memory_space<hbm>>) dst(%arg6 : memref<8x1024xf32, #tpu.memory_space<vmem>>)
    %broadcast_in_dim3A = arith.constant 0.000000e+00 : f32
    %broadcast_in_dim3A_15 = vector.broadcast %broadcast_in_dim3A : f32 to vector<16xf32>
    %parallel_loop3A = arith.constant 0 : i32
    %parallel_loop3A_16 = arith.constant 128 : i32
    %parallel_loop3A_17 = arith.constant 1 : i32
    %parallel_loop3A_18:8 = scf.for %parallel_loop3A_38 = %parallel_loop3A to %parallel_loop3A_16 step %parallel_loop3A_17 iter_args(%parallel_loop3A_39 = %broadcast_in_dim3A_15, %parallel_loop3A_40 = %broadcast_in_dim3A_15, %parallel_loop3A_41 = %broadcast_in_dim3A_15, %parallel_loop3A_42 = %broadcast_in_dim3A_15, %parallel_loop3A_43 = %broadcast_in_dim3A_15, %parallel_loop3A_44 = %broadcast_in_dim3A_15, %parallel_loop3A_45 = %broadcast_in_dim3A_15, %parallel_loop3A_46 = %broadcast_in_dim3A_15) -> (vector<16xf32>, vector<16xf32>, vector<16xf32>, vector<16xf32>, vector<16xf32>, vector<16xf32>, vector<16xf32>, vector<16xf32>)  : i32 {
      %parallel_loop3A_47 = arith.constant 4 : i32
      %parallel_loop3A_48 = arith.muli %parallel_loop3A_38, %parallel_loop3A_47 : i32
      %parallel_loop3A_49 = arith.constant 0 : i32
      %parallel_loop3A_50 = arith.addi %parallel_loop3A_48, %parallel_loop3A_49 : i32
      %parallel_loop3A_51 = arith.constant 6 : i32
      %parallel_loop3A_52 = arith.shrui %parallel_loop3A_50, %parallel_loop3A_51 : i32
      %parallel_loop3A_53 = arith.constant 63 : i32
      %parallel_loop3A_54 = arith.andi %parallel_loop3A_50, %parallel_loop3A_53 : i32
      %parallel_loop3A_55 = arith.constant 16 : i32
      %parallel_loop3A_56 = arith.muli %parallel_loop3A_54, %parallel_loop3A_55 : i32
      %parallel_loop3A_57 = arith.index_cast %parallel_loop3A_52 : i32 to index
      %parallel_loop3A_58 = arith.index_cast %parallel_loop3A_56 : i32 to index
      %parallel_loop3A_59 = tpu.vector_load %arg5[%parallel_loop3A_57, %parallel_loop3A_58] {strides = array<i32>} : memref<8x1024xf32, #tpu.memory_space<vmem>>, vector<1x16xf32>,
      %parallel_loop3A_60 = vector.shape_cast %parallel_loop3A_59 : vector<1x16xf32> to vector<16xf32>
      %parallel_loop3A_61 = arith.index_cast %parallel_loop3A_52 : i32 to index
      %parallel_loop3A_62 = arith.index_cast %parallel_loop3A_56 : i32 to index
      %parallel_loop3A_63 = tpu.vector_load %arg6[%parallel_loop3A_61, %parallel_loop3A_62] {strides = array<i32>} : memref<8x1024xf32, #tpu.memory_space<vmem>>, vector<1x16xf32>,
      %parallel_loop3A_64 = vector.shape_cast %parallel_loop3A_63 : vector<1x16xf32> to vector<16xf32>
      %parallel_loop3A_65 = arith.subf %parallel_loop3A_60, %parallel_loop3A_64 : vector<16xf32>
      %parallel_loop3A_66 = math.absf %parallel_loop3A_65 : vector<16xf32>
      %parallel_loop3A_67 = arith.constant 1.000000e+00 : f32
      %parallel_loop3A_68 = vector.broadcast %parallel_loop3A_67 : f32 to vector<16xf32>
      %parallel_loop3A_69 = arith.subf %parallel_loop3A_68, %parallel_loop3A_66 : vector<16xf32>
      %parallel_loop3A_70 = tpu.bitcast %parallel_loop3A_69 : vector<16xf32> -> vector<16xi32>
      %parallel_loop3A_71 = arith.constant 23 : i32
      %parallel_loop3A_72 = vector.broadcast %parallel_loop3A_71 : i32 to vector<16xi32>
      %parallel_loop3A_73 = arith.shrui %parallel_loop3A_70, %parallel_loop3A_72 : vector<16xi32>
      %parallel_loop3A_74 = arith.sitofp %parallel_loop3A_73 : vector<16xi32> to vector<16xf32>
      %parallel_loop3A_75 = arith.constant 8388607 : i32
      %parallel_loop3A_76 = vector.broadcast %parallel_loop3A_75 : i32 to vector<16xi32>
      %parallel_loop3A_77 = arith.andi %parallel_loop3A_70, %parallel_loop3A_76 : vector<16xi32>
      %parallel_loop3A_78 = arith.constant 1065353216 : i32
      %parallel_loop3A_79 = vector.broadcast %parallel_loop3A_78 : i32 to vector<16xi32>
      %parallel_loop3A_80 = arith.ori %parallel_loop3A_77, %parallel_loop3A_79 : vector<16xi32>
      %parallel_loop3A_81 = tpu.bitcast %parallel_loop3A_80 : vector<16xi32> -> vector<16xf32>
      %parallel_loop3A_82 = arith.constant 1.000000e+00 : f32
      %parallel_loop3A_83 = vector.broadcast %parallel_loop3A_82 : f32 to vector<16xf32>
      %parallel_loop3A_84 = arith.subf %parallel_loop3A_81, %parallel_loop3A_83 : vector<16xf32>
      %parallel_loop3A_85 = arith.constant 0.153913528 : f32
      %parallel_loop3A_86 = vector.broadcast %parallel_loop3A_85 : f32 to vector<16xf32>
      %parallel_loop3A_87 = arith.mulf %parallel_loop3A_84, %parallel_loop3A_86 : vector<16xf32>
      %parallel_loop3A_88 = arith.constant -0.567752123 : f32
      %parallel_loop3A_89 = vector.broadcast %parallel_loop3A_88 : f32 to vector<16xf32>
      %parallel_loop3A_90 = arith.addf %parallel_loop3A_89, %parallel_loop3A_87 : vector<16xf32>
      %parallel_loop3A_91 = arith.mulf %parallel_loop3A_84, %parallel_loop3A_90 : vector<16xf32>
      %parallel_loop3A_92 = arith.constant 1.41348541 : f32
      %parallel_loop3A_93 = vector.broadcast %parallel_loop3A_92 : f32 to vector<16xf32>
      %parallel_loop3A_94 = arith.addf %parallel_loop3A_93, %parallel_loop3A_91 : vector<16xf32>
      %parallel_loop3A_95 = arith.mulf %parallel_loop3A_84, %parallel_loop3A_94 : vector<16xf32>
      %parallel_loop3A_96 = arith.constant -126.998665 : f32
      %parallel_loop3A_97 = vector.broadcast %parallel_loop3A_96 : f32 to vector<16xf32>
      %parallel_loop3A_98 = arith.addf %parallel_loop3A_97, %parallel_loop3A_95 : vector<16xf32>
      %parallel_loop3A_99 = arith.addf %parallel_loop3A_74, %parallel_loop3A_98 : vector<16xf32>
      %parallel_loop3A_100 = arith.addf %parallel_loop3A_39, %parallel_loop3A_99 : vector<16xf32>
      %parallel_loop3A_101 = arith.mulf %parallel_loop3A_64, %parallel_loop3A_99 : vector<16xf32>
      %parallel_loop3A_102 = arith.addf %parallel_loop3A_43, %parallel_loop3A_101 : vector<16xf32>
      %parallel_loop3A_103 = arith.constant 4 : i32
      %parallel_loop3A_104 = arith.muli %parallel_loop3A_38, %parallel_loop3A_103 : i32
      %parallel_loop3A_105 = arith.constant 1 : i32
      %parallel_loop3A_106 = arith.addi %parallel_loop3A_104, %parallel_loop3A_105 : i32
      %parallel_loop3A_107 = arith.constant 6 : i32
      %parallel_loop3A_108 = arith.shrui %parallel_loop3A_106, %parallel_loop3A_107 : i32
      %parallel_loop3A_109 = arith.constant 63 : i32
      %parallel_loop3A_110 = arith.andi %parallel_loop3A_106, %parallel_loop3A_109 : i32
      %parallel_loop3A_111 = arith.constant 16 : i32
      %parallel_loop3A_112 = arith.muli %parallel_loop3A_110, %parallel_loop3A_111 : i32
      %parallel_loop3A_113 = arith.index_cast %parallel_loop3A_108 : i32 to index
      %parallel_loop3A_114 = arith.index_cast %parallel_loop3A_112 : i32 to index
      %parallel_loop3A_115 = tpu.vector_load %arg5[%parallel_loop3A_113, %parallel_loop3A_114] {strides = array<i32>} : memref<8x1024xf32, #tpu.memory_space<vmem>>, vector<1x16xf32>,
      %parallel_loop3A_116 = vector.shape_cast %parallel_loop3A_115 : vector<1x16xf32> to vector<16xf32>
      %parallel_loop3A_117 = arith.index_cast %parallel_loop3A_108 : i32 to index
      %parallel_loop3A_118 = arith.index_cast %parallel_loop3A_112 : i32 to index
      %parallel_loop3A_119 = tpu.vector_load %arg6[%parallel_loop3A_117, %parallel_loop3A_118] {strides = array<i32>} : memref<8x1024xf32, #tpu.memory_space<vmem>>, vector<1x16xf32>,
      %parallel_loop3A_120 = vector.shape_cast %parallel_loop3A_119 : vector<1x16xf32> to vector<16xf32>
      %parallel_loop3A_121 = arith.subf %parallel_loop3A_116, %parallel_loop3A_120 : vector<16xf32>
      %parallel_loop3A_122 = math.absf %parallel_loop3A_121 : vector<16xf32>
      %parallel_loop3A_123 = arith.constant 1.000000e+00 : f32
      %parallel_loop3A_124 = vector.broadcast %parallel_loop3A_123 : f32 to vector<16xf32>
      %parallel_loop3A_125 = arith.subf %parallel_loop3A_124, %parallel_loop3A_122 : vector<16xf32>
      %parallel_loop3A_126 = tpu.bitcast %parallel_loop3A_125 : vector<16xf32> -> vector<16xi32>
      %parallel_loop3A_127 = arith.constant 23 : i32
      %parallel_loop3A_128 = vector.broadcast %parallel_loop3A_127 : i32 to vector<16xi32>
      %parallel_loop3A_129 = arith.shrui %parallel_loop3A_126, %parallel_loop3A_128 : vector<16xi32>
      %parallel_loop3A_130 = arith.sitofp %parallel_loop3A_129 : vector<16xi32> to vector<16xf32>
      %parallel_loop3A_131 = arith.constant 8388607 : i32
      %parallel_loop3A_132 = vector.broadcast %parallel_loop3A_131 : i32 to vector<16xi32>
      %parallel_loop3A_133 = arith.andi %parallel_loop3A_126, %parallel_loop3A_132 : vector<16xi32>
      %parallel_loop3A_134 = arith.constant 1065353216 : i32
      %parallel_loop3A_135 = vector.broadcast %parallel_loop3A_134 : i32 to vector<16xi32>
      %parallel_loop3A_136 = arith.ori %parallel_loop3A_133, %parallel_loop3A_135 : vector<16xi32>
      %parallel_loop3A_137 = tpu.bitcast %parallel_loop3A_136 : vector<16xi32> -> vector<16xf32>
      %parallel_loop3A_138 = arith.constant 1.000000e+00 : f32
      %parallel_loop3A_139 = vector.broadcast %parallel_loop3A_138 : f32 to vector<16xf32>
      %parallel_loop3A_140 = arith.subf %parallel_loop3A_137, %parallel_loop3A_139 : vector<16xf32>
      %parallel_loop3A_141 = arith.constant 0.153913528 : f32
      %parallel_loop3A_142 = vector.broadcast %parallel_loop3A_141 : f32 to vector<16xf32>
      %parallel_loop3A_143 = arith.mulf %parallel_loop3A_140, %parallel_loop3A_142 : vector<16xf32>
      %parallel_loop3A_144 = arith.constant -0.567752123 : f32
      %parallel_loop3A_145 = vector.broadcast %parallel_loop3A_144 : f32 to vector<16xf32>
      %parallel_loop3A_146 = arith.addf %parallel_loop3A_145, %parallel_loop3A_143 : vector<16xf32>
      %parallel_loop3A_147 = arith.mulf %parallel_loop3A_140, %parallel_loop3A_146 : vector<16xf32>
      %parallel_loop3A_148 = arith.constant 1.41348541 : f32
      %parallel_loop3A_149 = vector.broadcast %parallel_loop3A_148 : f32 to vector<16xf32>
      %parallel_loop3A_150 = arith.addf %parallel_loop3A_149, %parallel_loop3A_147 : vector<16xf32>
      %parallel_loop3A_151 = arith.mulf %parallel_loop3A_140, %parallel_loop3A_150 : vector<16xf32>
      %parallel_loop3A_152 = arith.constant -126.998665 : f32
      %parallel_loop3A_153 = vector.broadcast %parallel_loop3A_152 : f32 to vector<16xf32>
      %parallel_loop3A_154 = arith.addf %parallel_loop3A_153, %parallel_loop3A_151 : vector<16xf32>
      %parallel_loop3A_155 = arith.addf %parallel_loop3A_130, %parallel_loop3A_154 : vector<16xf32>
      %parallel_loop3A_156 = arith.addf %parallel_loop3A_40, %parallel_loop3A_155 : vector<16xf32>
      %parallel_loop3A_157 = arith.mulf %parallel_loop3A_120, %parallel_loop3A_155 : vector<16xf32>
      %parallel_loop3A_158 = arith.addf %parallel_loop3A_44, %parallel_loop3A_157 : vector<16xf32>
      %parallel_loop3A_159 = arith.constant 4 : i32
      %parallel_loop3A_160 = arith.muli %parallel_loop3A_38, %parallel_loop3A_159 : i32
      %parallel_loop3A_161 = arith.constant 2 : i32
      %parallel_loop3A_162 = arith.addi %parallel_loop3A_160, %parallel_loop3A_161 : i32
      %parallel_loop3A_163 = arith.constant 6 : i32
      %parallel_loop3A_164 = arith.shrui %parallel_loop3A_162, %parallel_loop3A_163 : i32
      %parallel_loop3A_165 = arith.constant 63 : i32
      %parallel_loop3A_166 = arith.andi %parallel_loop3A_162, %parallel_loop3A_165 : i32
      %parallel_loop3A_167 = arith.constant 16 : i32
      %parallel_loop3A_168 = arith.muli %parallel_loop3A_166, %parallel_loop3A_167 : i32
      %parallel_loop3A_169 = arith.index_cast %parallel_loop3A_164 : i32 to index
      %parallel_loop3A_170 = arith.index_cast %parallel_loop3A_168 : i32 to index
      %parallel_loop3A_171 = tpu.vector_load %arg5[%parallel_loop3A_169, %parallel_loop3A_170] {strides = array<i32>} : memref<8x1024xf32, #tpu.memory_space<vmem>>, vector<1x16xf32>,
      %parallel_loop3A_172 = vector.shape_cast %parallel_loop3A_171 : vector<1x16xf32> to vector<16xf32>
      %parallel_loop3A_173 = arith.index_cast %parallel_loop3A_164 : i32 to index
      %parallel_loop3A_174 = arith.index_cast %parallel_loop3A_168 : i32 to index
      %parallel_loop3A_175 = tpu.vector_load %arg6[%parallel_loop3A_173, %parallel_loop3A_174] {strides = array<i32>} : memref<8x1024xf32, #tpu.memory_space<vmem>>, vector<1x16xf32>,
      %parallel_loop3A_176 = vector.shape_cast %parallel_loop3A_175 : vector<1x16xf32> to vector<16xf32>
      %parallel_loop3A_177 = arith.subf %parallel_loop3A_172, %parallel_loop3A_176 : vector<16xf32>
      %parallel_loop3A_178 = math.absf %parallel_loop3A_177 : vector<16xf32>
      %parallel_loop3A_179 = arith.constant 1.000000e+00 : f32
      %parallel_loop3A_180 = vector.broadcast %parallel_loop3A_179 : f32 to vector<16xf32>
      %parallel_loop3A_181 = arith.subf %parallel_loop3A_180, %parallel_loop3A_178 : vector<16xf32>
      %parallel_loop3A_182 = tpu.bitcast %parallel_loop3A_181 : vector<16xf32> -> vector<16xi32>
      %parallel_loop3A_183 = arith.constant 23 : i32
      %parallel_loop3A_184 = vector.broadcast %parallel_loop3A_183 : i32 to vector<16xi32>
      %parallel_loop3A_185 = arith.shrui %parallel_loop3A_182, %parallel_loop3A_184 : vector<16xi32>
      %parallel_loop3A_186 = arith.sitofp %parallel_loop3A_185 : vector<16xi32> to vector<16xf32>
      %parallel_loop3A_187 = arith.constant 8388607 : i32
      %parallel_loop3A_188 = vector.broadcast %parallel_loop3A_187 : i32 to vector<16xi32>
      %parallel_loop3A_189 = arith.andi %parallel_loop3A_182, %parallel_loop3A_188 : vector<16xi32>
      %parallel_loop3A_190 = arith.constant 1065353216 : i32
      %parallel_loop3A_191 = vector.broadcast %parallel_loop3A_190 : i32 to vector<16xi32>
      %parallel_loop3A_192 = arith.ori %parallel_loop3A_189, %parallel_loop3A_191 : vector<16xi32>
      %parallel_loop3A_193 = tpu.bitcast %parallel_loop3A_192 : vector<16xi32> -> vector<16xf32>
      %parallel_loop3A_194 = arith.constant 1.000000e+00 : f32
      %parallel_loop3A_195 = vector.broadcast %parallel_loop3A_194 : f32 to vector<16xf32>
      %parallel_loop3A_196 = arith.subf %parallel_loop3A_193, %parallel_loop3A_195 : vector<16xf32>
      %parallel_loop3A_197 = arith.constant 0.153913528 : f32
      %parallel_loop3A_198 = vector.broadcast %parallel_loop3A_197 : f32 to vector<16xf32>
      %parallel_loop3A_199 = arith.mulf %parallel_loop3A_196, %parallel_loop3A_198 : vector<16xf32>
      %parallel_loop3A_200 = arith.constant -0.567752123 : f32
      %parallel_loop3A_201 = vector.broadcast %parallel_loop3A_200 : f32 to vector<16xf32>
      %parallel_loop3A_202 = arith.addf %parallel_loop3A_201, %parallel_loop3A_199 : vector<16xf32>
      %parallel_loop3A_203 = arith.mulf %parallel_loop3A_196, %parallel_loop3A_202 : vector<16xf32>
      %parallel_loop3A_204 = arith.constant 1.41348541 : f32
      %parallel_loop3A_205 = vector.broadcast %parallel_loop3A_204 : f32 to vector<16xf32>
      %parallel_loop3A_206 = arith.addf %parallel_loop3A_205, %parallel_loop3A_203 : vector<16xf32>
      %parallel_loop3A_207 = arith.mulf %parallel_loop3A_196, %parallel_loop3A_206 : vector<16xf32>
      %parallel_loop3A_208 = arith.constant -126.998665 : f32
      %parallel_loop3A_209 = vector.broadcast %parallel_loop3A_208 : f32 to vector<16xf32>
      %parallel_loop3A_210 = arith.addf %parallel_loop3A_209, %parallel_loop3A_207 : vector<16xf32>
      %parallel_loop3A_211 = arith.addf %parallel_loop3A_186, %parallel_loop3A_210 : vector<16xf32>
      %parallel_loop3A_212 = arith.addf %parallel_loop3A_41, %parallel_loop3A_211 : vector<16xf32>
      %parallel_loop3A_213 = arith.mulf %parallel_loop3A_176, %parallel_loop3A_211 : vector<16xf32>
      %parallel_loop3A_214 = arith.addf %parallel_loop3A_45, %parallel_loop3A_213 : vector<16xf32>
      %parallel_loop3A_215 = arith.constant 4 : i32
      %parallel_loop3A_216 = arith.muli %parallel_loop3A_38, %parallel_loop3A_215 : i32
      %parallel_loop3A_217 = arith.constant 3 : i32
      %parallel_loop3A_218 = arith.addi %parallel_loop3A_216, %parallel_loop3A_217 : i32
      %parallel_loop3A_219 = arith.constant 6 : i32
      %parallel_loop3A_220 = arith.shrui %parallel_loop3A_218, %parallel_loop3A_219 : i32
      %parallel_loop3A_221 = arith.constant 63 : i32
      %parallel_loop3A_222 = arith.andi %parallel_loop3A_218, %parallel_loop3A_221 : i32
      %parallel_loop3A_223 = arith.constant 16 : i32
      %parallel_loop3A_224 = arith.muli %parallel_loop3A_222, %parallel_loop3A_223 : i32
      %parallel_loop3A_225 = arith.index_cast %parallel_loop3A_220 : i32 to index
      %parallel_loop3A_226 = arith.index_cast %parallel_loop3A_224 : i32 to index
      %parallel_loop3A_227 = tpu.vector_load %arg5[%parallel_loop3A_225, %parallel_loop3A_226] {strides = array<i32>} : memref<8x1024xf32, #tpu.memory_space<vmem>>, vector<1x16xf32>,
      %parallel_loop3A_228 = vector.shape_cast %parallel_loop3A_227 : vector<1x16xf32> to vector<16xf32>
      %parallel_loop3A_229 = arith.index_cast %parallel_loop3A_220 : i32 to index
      %parallel_loop3A_230 = arith.index_cast %parallel_loop3A_224 : i32 to index
      %parallel_loop3A_231 = tpu.vector_load %arg6[%parallel_loop3A_229, %parallel_loop3A_230] {strides = array<i32>} : memref<8x1024xf32, #tpu.memory_space<vmem>>, vector<1x16xf32>,
      %parallel_loop3A_232 = vector.shape_cast %parallel_loop3A_231 : vector<1x16xf32> to vector<16xf32>
      %parallel_loop3A_233 = arith.subf %parallel_loop3A_228, %parallel_loop3A_232 : vector<16xf32>
      %parallel_loop3A_234 = math.absf %parallel_loop3A_233 : vector<16xf32>
      %parallel_loop3A_235 = arith.constant 1.000000e+00 : f32
      %parallel_loop3A_236 = vector.broadcast %parallel_loop3A_235 : f32 to vector<16xf32>
      %parallel_loop3A_237 = arith.subf %parallel_loop3A_236, %parallel_loop3A_234 : vector<16xf32>
      %parallel_loop3A_238 = tpu.bitcast %parallel_loop3A_237 : vector<16xf32> -> vector<16xi32>
      %parallel_loop3A_239 = arith.constant 23 : i32
      %parallel_loop3A_240 = vector.broadcast %parallel_loop3A_239 : i32 to vector<16xi32>
      %parallel_loop3A_241 = arith.shrui %parallel_loop3A_238, %parallel_loop3A_240 : vector<16xi32>
      %parallel_loop3A_242 = arith.sitofp %parallel_loop3A_241 : vector<16xi32> to vector<16xf32>
      %parallel_loop3A_243 = arith.constant 8388607 : i32
      %parallel_loop3A_244 = vector.broadcast %parallel_loop3A_243 : i32 to vector<16xi32>
      %parallel_loop3A_245 = arith.andi %parallel_loop3A_238, %parallel_loop3A_244 : vector<16xi32>
      %parallel_loop3A_246 = arith.constant 1065353216 : i32
      %parallel_loop3A_247 = vector.broadcast %parallel_loop3A_246 : i32 to vector<16xi32>
      %parallel_loop3A_248 = arith.ori %parallel_loop3A_245, %parallel_loop3A_247 : vector<16xi32>
      %parallel_loop3A_249 = tpu.bitcast %parallel_loop3A_248 : vector<16xi32> -> vector<16xf32>
      %parallel_loop3A_250 = arith.constant 1.000000e+00 : f32
      %parallel_loop3A_251 = vector.broadcast %parallel_loop3A_250 : f32 to vector<16xf32>
      %parallel_loop3A_252 = arith.subf %parallel_loop3A_249, %parallel_loop3A_251 : vector<16xf32>
      %parallel_loop3A_253 = arith.constant 0.153913528 : f32
      %parallel_loop3A_254 = vector.broadcast %parallel_loop3A_253 : f32 to vector<16xf32>
      %parallel_loop3A_255 = arith.mulf %parallel_loop3A_252, %parallel_loop3A_254 : vector<16xf32>
      %parallel_loop3A_256 = arith.constant -0.567752123 : f32
      %parallel_loop3A_257 = vector.broadcast %parallel_loop3A_256 : f32 to vector<16xf32>
      %parallel_loop3A_258 = arith.addf %parallel_loop3A_257, %parallel_loop3A_255 : vector<16xf32>
      %parallel_loop3A_259 = arith.mulf %parallel_loop3A_252, %parallel_loop3A_258 : vector<16xf32>
      %parallel_loop3A_260 = arith.constant 1.41348541 : f32
      %parallel_loop3A_261 = vector.broadcast %parallel_loop3A_260 : f32 to vector<16xf32>
      %parallel_loop3A_262 = arith.addf %parallel_loop3A_261, %parallel_loop3A_259 : vector<16xf32>
      %parallel_loop3A_263 = arith.mulf %parallel_loop3A_252, %parallel_loop3A_262 : vector<16xf32>
      %parallel_loop3A_264 = arith.constant -126.998665 : f32
      %parallel_loop3A_265 = vector.broadcast %parallel_loop3A_264 : f32 to vector<16xf32>
      %parallel_loop3A_266 = arith.addf %parallel_loop3A_265, %parallel_loop3A_263 : vector<16xf32>
      %parallel_loop3A_267 = arith.addf %parallel_loop3A_242, %parallel_loop3A_266 : vector<16xf32>
      %parallel_loop3A_268 = arith.addf %parallel_loop3A_42, %parallel_loop3A_267 : vector<16xf32>
      %parallel_loop3A_269 = arith.mulf %parallel_loop3A_232, %parallel_loop3A_267 : vector<16xf32>
      %parallel_loop3A_270 = arith.addf %parallel_loop3A_46, %parallel_loop3A_269 : vector<16xf32>
      scf.yield %parallel_loop3A_100, %parallel_loop3A_156, %parallel_loop3A_212, %parallel_loop3A_268, %parallel_loop3A_102, %parallel_loop3A_158, %parallel_loop3A_214, %parallel_loop3A_270 : vector<16xf32>, vector<16xf32>, vector<16xf32>, vector<16xf32>, vector<16xf32>, vector<16xf32>, vector<16xf32>, vector<16xf32>
    } {sc.loop_unroll_factor = 2 : i64, sc.parallel_access}
    %add3A_19 = arith.addf %parallel_loop3A_18#0, %parallel_loop3A_18#1 : vector<16xf32>
    %add3A_20 = arith.addf %add3A_19, %parallel_loop3A_18#2 : vector<16xf32>
    %add3A_21 = arith.addf %add3A_20, %parallel_loop3A_18#3 : vector<16xf32>
    %add3A_22 = arith.addf %parallel_loop3A_18#4, %parallel_loop3A_18#5 : vector<16xf32>
    %add3A_23 = arith.addf %add3A_22, %parallel_loop3A_18#6 : vector<16xf32>
    %add3A_24 = arith.addf %add3A_23, %parallel_loop3A_18#7 : vector<16xf32>
    %swap3A = arith.constant 0 : index
    %swap3A_25 = tpu.vector_load %arg7[%swap3A] {strides = array<i32>} : memref<32xf32, #tpu.memory_space<vmem>>, vector<16xf32>,
    %swap3A_26 = vector.shape_cast %swap3A_25 : vector<16xf32> to vector<16xf32>
    %swap3A_27 = vector.shape_cast %add3A_21 : vector<16xf32> to vector<16xf32>
    tpu.vector_store %arg7[%swap3A], %swap3A_27 {strides = array<i32>} : memref<32xf32, #tpu.memory_space<vmem>>, vector<16xf32>,
    %swap3A_28 = arith.constant 16 : index
    %swap3A_29 = tpu.vector_load %arg7[%swap3A_28] {strides = array<i32>} : memref<32xf32, #tpu.memory_space<vmem>>, vector<16xf32>,
    %swap3A_30 = vector.shape_cast %swap3A_29 : vector<16xf32> to vector<16xf32>
    %swap3A_31 = vector.shape_cast %add3A_24 : vector<16xf32> to vector<16xf32>
    tpu.vector_store %arg7[%swap3A_28], %swap3A_31 {strides = array<i32>} : memref<32xf32, #tpu.memory_space<vmem>>, vector<16xf32>,
    %mul3A_32 = arith.constant 16 : i32
    %mul3A_33 = arith.muli %add3A, %mul3A_32 : i32
    "tpu.region"() ({
      %run_scoped3A = tpu.sem_alloc : memref<!tpu.dma_semaphore, #tpu.memory_space<semaphore_mem>>
      %dma_start3A_38 = arith.constant 0 : i32
      %dma_start3A_39 = tpu.memref_slice %arg7[%dma_start3A_38] : memref<32xf32, #tpu.memory_space<vmem>> -> memref<16xf32, #tpu.memory_space<vmem>>
      %dma_start3A_40 = tpu.memref_slice %arg4[%mul3A_33] : memref<1024xf32, #tpu.memory_space<hbm>> -> memref<16xf32, #tpu.memory_space<hbm>>
      %dma_start3A_41 = tpu.memref_slice %arg4[%mul3A_33] : memref<1024xf32, #tpu.memory_space<hbm>> -> memref<16xf32, #tpu.memory_space<hbm>>
      %dma_start3A_42 = arith.constant 0 : i32
      %dma_start3A_43 = tpu.memref_slice %arg7[%dma_start3A_42] : memref<32xf32, #tpu.memory_space<vmem>> -> memref<16xf32, #tpu.memory_space<vmem>>
      tpu.enqueue_dma source(%dma_start3A_43 : memref<16xf32, #tpu.memory_space<vmem>>) target(%dma_start3A_41 : memref<16xf32, #tpu.memory_space<hbm>>) target_semaphore(%run_scoped3A : memref<!tpu.dma_semaphore, #tpu.memory_space<semaphore_mem>>)
      %dma_wait3A_44 = arith.constant 0 : i32
      %dma_wait3A_45 = tpu.memref_slice %arg7[%dma_wait3A_44] : memref<32xf32, #tpu.memory_space<vmem>> -> memref<16xf32, #tpu.memory_space<vmem>>
      %dma_wait3A_46 = tpu.memref_slice %arg4[%mul3A_33] : memref<1024xf32, #tpu.memory_space<hbm>> -> memref<16xf32, #tpu.memory_space<hbm>>
      %dma_wait3A_47 = tpu.memref_slice %arg4[%mul3A_33] : memref<1024xf32, #tpu.memory_space<hbm>> -> memref<16xf32, #tpu.memory_space<hbm>>
      %dma_wait3A_48 = arith.constant 0 : i32
      %dma_wait3A_49 = tpu.memref_slice %arg7[%dma_wait3A_48] : memref<32xf32, #tpu.memory_space<vmem>> -> memref<16xf32, #tpu.memory_space<vmem>>
      tpu.wait_dma2 semaphore(%run_scoped3A : memref<!tpu.dma_semaphore, #tpu.memory_space<semaphore_mem>>) src(%dma_wait3A_49 : memref<16xf32, #tpu.memory_space<vmem>>) dst(%dma_wait3A_47 : memref<16xf32, #tpu.memory_space<hbm>>)
      tpu.yield
    }) : () -> ()
    %add3A_34 = arith.constant 32 : i32
    %add3A_35 = arith.addi %add3A_34, %add3A : i32
    %mul3A_36 = arith.constant 16 : i32
    %mul3A_37 = arith.muli %add3A_35, %mul3A_36 : i32
    "tpu.region"() ({
      %run_scoped3A = tpu.sem_alloc : memref<!tpu.dma_semaphore, #tpu.memory_space<semaphore_mem>>
      %dma_start3A_38 = arith.constant 16 : i32
      %dma_start3A_39 = tpu.memref_slice %arg7[%dma_start3A_38] : memref<32xf32, #tpu.memory_space<vmem>> -> memref<16xf32, #tpu.memory_space<vmem>>
      %dma_start3A_40 = tpu.memref_slice %arg4[%mul3A_37] : memref<1024xf32, #tpu.memory_space<hbm>> -> memref<16xf32, #tpu.memory_space<hbm>>
      %dma_start3A_41 = tpu.memref_slice %arg4[%mul3A_37] : memref<1024xf32, #tpu.memory_space<hbm>> -> memref<16xf32, #tpu.memory_space<hbm>>
      %dma_start3A_42 = arith.constant 16 : i32
      %dma_start3A_43 = tpu.memref_slice %arg7[%dma_start3A_42] : memref<32xf32, #tpu.memory_space<vmem>> -> memref<16xf32, #tpu.memory_space<vmem>>
      tpu.enqueue_dma source(%dma_start3A_43 : memref<16xf32, #tpu.memory_space<vmem>>) target(%dma_start3A_41 : memref<16xf32, #tpu.memory_space<hbm>>) target_semaphore(%run_scoped3A : memref<!tpu.dma_semaphore, #tpu.memory_space<semaphore_mem>>)
      %dma_wait3A_44 = arith.constant 16 : i32
      %dma_wait3A_45 = tpu.memref_slice %arg7[%dma_wait3A_44] : memref<32xf32, #tpu.memory_space<vmem>> -> memref<16xf32, #tpu.memory_space<vmem>>
      %dma_wait3A_46 = tpu.memref_slice %arg4[%mul3A_37] : memref<1024xf32, #tpu.memory_space<hbm>> -> memref<16xf32, #tpu.memory_space<hbm>>
      %dma_wait3A_47 = tpu.memref_slice %arg4[%mul3A_37] : memref<1024xf32, #tpu.memory_space<hbm>> -> memref<16xf32, #tpu.memory_space<hbm>>
      %dma_wait3A_48 = arith.constant 16 : i32
      %dma_wait3A_49 = tpu.memref_slice %arg7[%dma_wait3A_48] : memref<32xf32, #tpu.memory_space<vmem>> -> memref<16xf32, #tpu.memory_space<vmem>>
      tpu.wait_dma2 semaphore(%run_scoped3A : memref<!tpu.dma_semaphore, #tpu.memory_space<semaphore_mem>>) src(%dma_wait3A_49 : memref<16xf32, #tpu.memory_space<vmem>>) dst(%dma_wait3A_47 : memref<16xf32, #tpu.memory_space<hbm>>)
      tpu.yield
    }) : () -> ()
    return
  }
}

module attributes {stable_mosaic.version = 14 : i64} {
  func.func @_tc_block_kernel(%arg0: i32, %arg1: memref<496x2048xf32, #tpu.memory_space<vmem>>, %arg2: memref<496x2048xf32, #tpu.memory_space<vmem>>, %arg3: memref<1xf32, #tpu.memory_space<smem>>, %arg4: memref<1xf32, #tpu.memory_space<smem>>) attributes {dimension_semantics = [#tpu.dimension_semantics<arbitrary>], iteration_bounds = array<i64: 8>, scalar_prefetch = 0 : i64, scratch_operands = 1 : i64, tpu.core_type = #tpu.core_type<tc>, window_params = [{transform_indices = @transform_0, window_bounds = array<i64: 496, 2048>}, {transform_indices = @transform_1, window_bounds = array<i64: 496, 2048>}, {transform_indices = @transform_2, window_bounds = array<i64: 1>}]} {
    %get3A = arith.constant 0 : index
    %get3A_0 = arith.constant 0 : index
    %get3A_1 = vector.load %arg1[%get3A, %get3A_0] : memref<496x2048xf32, #tpu.memory_space<vmem>>, vector<496x2048xf32>
    %get3A_2 = arith.constant 0 : index
    %get3A_3 = arith.constant 0 : index
    %get3A_4 = vector.load %arg2[%get3A_2, %get3A_3] : memref<496x2048xf32, #tpu.memory_space<vmem>>, vector<496x2048xf32>
    %ge3A = arith.constant 0.999899983 : f32
    %ge3A_5 = vector.broadcast %ge3A : f32 to vector<496x2048xf32>
    %ge3A_6 = arith.cmpf oge, %get3A_4, %ge3A_5 : vector<496x2048xf32>
    %sub3A = arith.constant 1.000000e+00 : f32
    %sub3A_7 = vector.broadcast %sub3A : f32 to vector<496x2048xf32>
    %sub3A_8 = arith.subf %sub3A_7, %get3A_1 : vector<496x2048xf32>
    %select_n3A = arith.select %ge3A_6, %get3A_1, %sub3A_8 : vector<496x2048xi1>, vector<496x2048xf32>
    %jit3A = arith.constant 13.796979 : f32
    %jit3A_9 = arith.constant 0.693147182 : f32
    %broadcast_in_dim3A = vector.broadcast %jit3A : f32 to vector<496x2048xf32>
    %broadcast_in_dim3A_10 = vector.broadcast %jit3A_9 : f32 to vector<496x2048xf32>
    %select_n3A_11 = arith.select %ge3A_6, %broadcast_in_dim3A, %broadcast_in_dim3A_10 : vector<496x2048xi1>, vector<496x2048xf32>
    %log3A = math.log %select_n3A : vector<496x2048xf32>
    %log3A_12 = arith.constant 2.000000e+00 : f32
    %log3A_13 = math.log %log3A_12 : f32
    %div3A = vector.broadcast %log3A_13 : f32 to vector<496x2048xf32>
    %div3A_14 = arith.divf %log3A, %div3A : vector<496x2048xf32>
    %mul3A = arith.mulf %select_n3A_11, %div3A_14 : vector<496x2048xf32>
    %reduce_sum3A = vector.shape_cast %mul3A : vector<496x2048xf32> to vector<1x496x2048xf32>
    %reduce_sum3A_15 = arith.constant dense<0.000000e+00> : vector<1xf32>
    %reduce_sum3A_16 = vector.multi_reduction <add>, %reduce_sum3A, %reduce_sum3A_15 [1, 2] : vector<1x496x2048xf32> to vector<1xf32>
    %reduce_sum3A_17 = vector.shape_cast %reduce_sum3A_16 : vector<1xf32> to vector<1x1x1xf32>
    %reduce_sum3A_18 = vector.extract %reduce_sum3A_17[0, 0, 0] : f32 from vector<1x1x1xf32>
    %eq3A = arith.constant 0 : i32
    %eq3A_19 = arith.cmpi eq, %arg0, %eq3A : i32
    %convert_element_type3A = arith.extui %eq3A_19 : i1 to i32
    %cond3A = arith.constant 0 : i32
    %cond3A_20 = arith.cmpi ne, %convert_element_type3A, %cond3A : i32
    scf.if %cond3A_20 {
      %swap3A_29 = arith.constant 0.000000e+00 : f32
      %swap3A_30 = arith.constant 0 : index
      %swap3A_31 = memref.load %arg4[%swap3A_30] : memref<1xf32, #tpu.memory_space<smem>>
      memref.store %swap3A_29, %arg4[%swap3A_30] : memref<1xf32, #tpu.memory_space<smem>>
    } else {
    }
    %get3A_21 = arith.constant 0 : index
    %get3A_22 = memref.load %arg4[%get3A_21] : memref<1xf32, #tpu.memory_space<smem>>
    %add3A = arith.addf %get3A_22, %reduce_sum3A_18 : f32
    %swap3A = arith.constant 0 : index
    %swap3A_23 = memref.load %arg4[%swap3A] : memref<1xf32, #tpu.memory_space<smem>>
    memref.store %add3A, %arg4[%swap3A] : memref<1xf32, #tpu.memory_space<smem>>
    %eq3A_24 = arith.constant 7 : i32
    %eq3A_25 = arith.cmpi eq, %arg0, %eq3A_24 : i32
    %convert_element_type3A_26 = arith.extui %eq3A_25 : i1 to i32
    %cond3A_27 = arith.constant 0 : i32
    %cond3A_28 = arith.cmpi ne, %convert_element_type3A_26, %cond3A_27 : i32
    scf.if %cond3A_28 {
      %get3A_29 = arith.constant 0 : index
      %get3A_30 = memref.load %arg4[%get3A_29] : memref<1xf32, #tpu.memory_space<smem>>
      %swap3A_31 = arith.constant 0 : index
      %swap3A_32 = memref.load %arg3[%swap3A_31] : memref<1xf32, #tpu.memory_space<smem>>
      memref.store %get3A_30, %arg3[%swap3A_31] : memref<1xf32, #tpu.memory_space<smem>>
    } else {
    }
    return
  }
  func.func @transform_0(%arg0: i32) -> (i32, i32) {
    %c0_i32 = arith.constant 0 : i32
    %c0_i32_0 = arith.constant 0 : i32
    return %arg0, %c0_i32 : i32, i32
  }
  func.func @transform_1(%arg0: i32) -> (i32, i32) {
    %c0_i32 = arith.constant 0 : i32
    %c0_i32_0 = arith.constant 0 : i32
    return %arg0, %c0_i32 : i32, i32
  }
  func.func @transform_2(%arg0: i32) -> i32 {
    %c0_i32 = arith.constant 0 : i32
    %c0_i32_0 = arith.constant 0 : i32
    return %c0_i32 : i32
  }
}

</mosaic_0001>

<sc_bundles>
// kernel: kernel.4.cloned.1.call-start
scs
__scs_entry_jumppad:
0x0: {  	(pc) =	sbr.rel $0x88, $3  }
0x1: {  	(tag) =	ssettag $0x0;
	lr =	simm.s32 $0x1  }
0x2: {  	[smem:$0x3F9F] =	sst lr;
	_ =	strace $0xD0000000  }
0x3: {  	_ = 	snop  }
0x4: {  	_ = 	snop  }
0x5: {  	_ = 	snop  }
0x6: {  	_ = 	snop  }
0x7: {  	_ = 	snop  }
__scs_overlays_trampoline_lowered:
0x8: {  	[smem:$0x3FAE] =	sst s0  }
0x9: {  	[smem:$0x3FAF] =	sst s1  }
0xa: {  	[smem:$0x3FB0] =	sst s2  }
0xb: {  	[smem:$0x3FB1] =	sst s3  }
0xc: {  	[smem:$0x3FB2] =	sst s4  }
0xd: {  	[smem:$0x3FB3] =	sst s5  }
0xe: {  	[smem:$0x3FB4] =	sst s6  }
0xf: {  	[smem:$0x3FB5] =	sst s7  }
0x10: {  	[smem:$0x3FB6] =	sst s8  }
0x11: {  	[smem:$0x3FB7] =	sst s9;
	s0 =	simm.s32 @!p0 $0x0  }
0x12: {  	s1 =	sld [smem:$0x3F9D];
	s0 =	simm.s32 @p0 $0x1  }
0x13: {  	[smem:$0x3FB8] =	sst s0;
	s0 =	simm.s32 @!p1 $0x0  }
0x14: {  	s2 =	sld [smem:$0x3F9C];
	s0 =	simm.s32 @p1 $0x1  }
0x15: {  	[smem:$0x3FB9] =	sst s0;
	s0 =	simm.s32 @!p2 $0x0  }
0x16: {  	s3 =	sld [smem:$0x3FDB];
	s0 =	simm.s32 @p2 $0x1  }
0x17: {  	s4 =	simm.s32 $0x1BF5;
	[smem:$0x3FBB] =	sst s0  }
0x18: {  	s0 =	sld [smem:$0x3F9E];
	_ =	swait.ge [sflag:s4], $0x0  }
0x19: {  	s7 =	sld [smem:$0x3F9F]  }
0x1a: {  	s8 =	sadd.s32 $0xFFFFE003, lr  }
0x1b: {  	s9 =	sadd.s32 $0xFFFFFEF7, lr;
	s5 =	simm.s32 $0xFFFFFFFF;
	p2 =	slt.u32 s8, $0xFFFFF086  }
0x1c: {  	p1 =	slt.u32 s9, $0xF7A;
	s5 =	simm.s32 @!p2 $0x0  }
0x1d: {  	s5 =	simm.s32 @p1 $0x1;
	p0 =	seq.s32 s7, s2  }
0x1e: {  	s7 =	smul.u32 @!p0 $0xF7A, s2;
	p2 =	seq.s32 @!p0 s5, $0x0  }
0x1f: {  	s9 =	smul.u32 $0xF7A, s1;
	s8 =	simm.s32 @!p0 $0x1BF5;
	p2 =	por !p2, p0  }
0x20: {  	[sflag:s8] =	ssyncset.s32 @!p0 $0xFFFFF086;
	s6 =	sadd.s32 @!p0 s3, s7;
	s7 =	simm.s32 @!p0 $0x108  }
0x21: {  	s3 =	sadd.s32 s3, s9;
	s6 =	sadd.s32 @!p0 $0x88, s6;
	s7 =	simm.s32 @p2 $0x1082  }
0x22: {  	[simem:s7], [sflag:s8] =	dma.local @!p0 [hbm:s6], $0xF7A  }
0x23: {  	s9 =	sor.u32 $0xD0000000, s2;
	s6 =	simm.s32 $0x108;
	_ =	swait.ge @!p0 [sflag:s8], $0x0  }
0x24: {  	s3 =	sadd.s32 $0x88, s3;
	s6 =	simm.s32 @!p1 $0x1082;
	[sflag:s4] =	ssyncset.s32 $0xFFFFF086  }
0x25: {  	[simem:s6], [sflag:s4] =	dma.local [hbm:s3], $0xF7A  }
0x26: {  	[smem:$0x3F9F] =	sst s1;
	(tag) =	ssettag s2;
	_ =	strace s9  }
0x27: {  	s1 =	sld [smem:$0x3FAF]  }
0x28: {  	s2 =	sld [smem:$0x3FB0]  }
0x29: {  	s4 =	sld [smem:$0x3FB2]  }
0x2a: {  	p0 =	seq.s32 s5, $0x0;
	s5 =	sld [smem:$0x3FB3]  }
0x2b: {  	s6 =	sld [smem:$0x3FB4]  }
0x2c: {  	s7 =	sld [smem:$0x3FB5]  }
0x2d: {  	s3 =	simm.s32 $0x108;
	s8 =	sld [smem:$0x3FB6]  }
0x2e: {  	s3 =	simm.s32 @!p0 $0x1082;
	s9 =	sld [smem:$0x3FB7]  }
0x2f: {  	lr =	sadd.s32 s0, s3;
	s0 =	sld [smem:$0x3FAE]  }
0x30: {  	s3 =	sld [smem:$0x3FB1]  }
0x31: {  	[smem:$0x3FBA] =	sst s10  }
0x32: {  	s10 =	sld [smem:$0x3FB8];
	_ =	sdelay $0x3  }
0x33: {  	p0 =	seq.s32 s10, $0x1;
	s10 =	sld [smem:$0x3FBA];
	_ =	sdelay $0x3  }
0x34: {  	[smem:$0x3FBA] =	sst s10  }
0x35: {  	s10 =	sld [smem:$0x3FB9];
	_ =	sdelay $0x3  }
0x36: {  	p1 =	seq.s32 s10, $0x1;
	s10 =	sld [smem:$0x3FBA];
	_ =	sdelay $0x3  }
0x37: {  	[smem:$0x3FBA] =	sst s10  }
0x38: {  	s10 =	sld [smem:$0x3FBB]  }
0x39: {  	_ = 	snop;
	(pc) =	sbr.ind lr, $3  }
0x3a: {  	_ = 	snop  }
0x3b: {  	_ = 	snop  }
0x3c: {  	p2 =	seq.s32 s10, $0x1;
	s10 =	sld [smem:$0x3FBA]  }
0x3d: {  	_ =	shalt  }
0x3e: {  	_ =	shalt  }
0x3f: {  	_ =	shalt  }
0x40: {  	_ =	shalt  }
0x41: {  	_ =	shalt  }
0x42: {  	_ =	shalt  }
0x43: {  	_ =	shalt  }
0x44: {  	_ =	shalt  }
0x45: {  	_ =	shalt  }
0x46: {  	_ =	shalt  }
0x47: {  	_ =	shalt  }
0x48: {  	_ =	shalt  }
0x49: {  	_ =	shalt  }
0x4a: {  	_ =	shalt  }
0x4b: {  	_ =	shalt  }
0x4c: {  	_ =	shalt  }
0x4d: {  	_ =	shalt  }
0x4e: {  	_ =	shalt  }
0x4f: {  	_ =	shalt  }
0x50: {  	_ =	shalt  }
0x51: {  	_ =	shalt  }
0x52: {  	_ =	shalt  }
0x53: {  	_ =	shalt  }
0x54: {  	_ =	shalt  }
0x55: {  	_ =	shalt  }
0x56: {  	_ =	shalt  }
0x57: {  	_ =	shalt  }
0x58: {  	_ =	shalt  }
0x59: {  	_ =	shalt  }
0x5a: {  	_ =	shalt  }
0x5b: {  	_ =	shalt  }
0x5c: {  	_ =	shalt  }
0x5d: {  	_ =	shalt  }
0x5e: {  	_ =	shalt  }
0x5f: {  	_ =	shalt  }
0x60: {  	_ =	shalt  }
0x61: {  	_ =	shalt  }
0x62: {  	_ =	shalt  }
0x63: {  	_ =	shalt  }
0x64: {  	_ =	shalt  }
0x65: {  	_ =	shalt  }
0x66: {  	_ =	shalt  }
0x67: {  	_ =	shalt  }
0x68: {  	_ =	shalt  }
0x69: {  	_ =	shalt  }
0x6a: {  	_ =	shalt  }
0x6b: {  	_ =	shalt  }
0x6c: {  	_ =	shalt  }
0x6d: {  	_ =	shalt  }
0x6e: {  	_ =	shalt  }
0x6f: {  	_ =	shalt  }
0x70: {  	_ =	shalt  }
0x71: {  	_ =	shalt  }
0x72: {  	_ =	shalt  }
0x73: {  	_ =	shalt  }
0x74: {  	_ =	shalt  }
0x75: {  	_ =	shalt  }
0x76: {  	_ =	shalt  }
0x77: {  	_ =	shalt  }
0x78: {  	_ =	shalt  }
0x79: {  	_ =	shalt  }
0x7a: {  	_ =	shalt  }
0x7b: {  	_ =	shalt  }
0x7c: {  	_ =	shalt  }
0x7d: {  	_ =	shalt  }
0x7e: {  	_ =	shalt  }
0x7f: {  	_ =	shalt  }
0x80: {  	_ =	shalt  }
0x81: {  	_ =	shalt  }
0x82: {  	_ =	shalt  }
0x83: {  	_ =	shalt  }
0x84: {  	_ =	shalt  }
0x85: {  	_ =	shalt  }
0x86: {  	_ =	shalt  }
0x87: {  	_ =	shalt  }
.Lfunc_end0:
.L_simem_size_0:
called_computation_lowered:
.L_overlay_start_0:
0x88: {  	s2 =	sld [smem:$0x3FD9]  }
0x89: {  	s3 =	sld [smem:$0x3FFE];
	_ =	sdelay $0x1  }
0x8a: {  	s1 =	srdreg.scid  }
0x8b: {  	s0 =	sand.u32 $0x1, s1  }
0x8c: {  	s17 =	sshll.u32 s0, $0xA;
	s2 =	sadd.s32 s3, s2  }
0x8d: {  	s2 =	sadd.s32 s2, s17  }
0x8e: {  	[smem:$0x3FC6] =	sst s2  }
0x8f: {  	_ = 	snop  }
0x90: {  	s2 =	sld [smem:$0x3FC9]  }
0x91: {  	s18 =	sld [smem:$0x3FC8];
	(tm) =	ssettm $0x1  }
0x92: {  	s4 =	sld [smem:$0x3FFB];
	_ =	sdelay $0x3  }
0x93: {  	_ =	strace s4  }
0x94: {  	s4 =	sld [smem:$0x3FFC];
	_ =	sdelay $0x3  }
0x95: {  	_ =	strace s4  }
0x96: {  	s4 =	sld [smem:$0x3FFD];
	_ =	sdelay $0x3  }
0x97: {  	_ =	strace s4  }
0x98: {  	_ =	strace $0x8FFFFFFF  }
0x99: {  	s19 =	sld [smem:$0x3FDB];
	_ =	sdelay $0x1  }
0x9a: {  	s5 =	simm.s32 $_scs_section_size  }
0x9b: {  	s6 =	simm.s32 $_size__tile_overlayer_lowered;
	s7 =	simm.s32 $_tile_overlayer_lowered  }
0x9c: {  	s22 =	simm.s32 $0x1BFF;
	s21 =	sshll.u32 s7, $0x1;
	s4 =	sadd.s32 s5, s19  }
0x9d: {  	s8 =	simm.s32 $0x0;
	s20 =	sshll.u32 s6, $0x1;
	s6 =	sadd.s32 s21, s4  }
0x9e: {  	[timem:s8], [sflag:s22] =	dma.local [hbm:s6], s20  }
0x9f: {  	_ =	swait.ge [sflag:s22], s20  }
0xa0: {  	s5 =	ssub.s32 $0x0, s20;
	[sflag:s22] =	ssyncset.done $0x0  }
0xa1: {  	[sflag:s22] =	ssyncadd.s32 s5;
	_ =	sdelay $0x1  }
0xa2: {  	s23 =	simm.s32 $0x1B8B  }
0xa3: {  	_ =	swait.ge [sflag:s23], $0x1  }
0xa4: {  	[sflag:s23] =	ssyncset.done $0x0  }
0xa5: {  	s25 =	simm.s32 $0x1B8E;
	s24 =	sld [smem:$0x3FFE];
	[sflag:s23] =	ssyncadd.s32 $0xFFFFFFFF  }
0xa6: {  	s26 =	simm.s32 $execute0_lowered;
	[smem:$0x3FD2] =	sst s25  }
0xa7: {  	s6 =	sshll.u32 s26, $0x1;
	_ =	strace $0x80000046;
	[dreg:$0x1] =	wrdreg $0xFFFFFFFF  }
0xa8: {  	s28 =	simm.s32 $_size_execute0_lowered;
	s4 =	sadd.s32 s4, s6;
	[dreg:$0x0] =	wrdreg $0x0  }
0xa9: {  	s6 =	sshll.u32 s28, $0x1;
	[dreg:$0x2] =	wrdreg s4  }
0xaa: {  	[dreg:$0x3] =	wrdreg s6  }
0xab: {  	[dreg:$0x4] =	wrdreg $0xC0  }
0xac: {  	_ =	task [dreg:s8], $0x5FFFF  }
0xad: {  	[dreg:$0x1] =	wrdreg $0xFFFFFFFF  }
0xae: {  	[dreg:$0x0] =	wrdreg $0x60  }
0xaf: {  	[dreg:$0x2] =	wrdreg s2  }
0xb0: {  	[dreg:$0x3] =	wrdreg s18  }
0xb1: {  	[dreg:$0x4] =	wrdreg s24  }
0xb2: {  	[dreg:$0x5] =	wrdreg $0x9  }
0xb3: {  	_ =	task.clear_ibuf [dreg:s8], $0x6FFFF;
	_ =	strace $0x90000046  }
0xb4: {  	s29 =	simm.s32 $0x9;
	_ =	strace $0x80000048  }
0xb5: {  	_ =	swait.ge [sflag:s29], $0x1  }
0xb6: {  	[sflag:s29] =	ssyncadd.s32 $0xFFFFFFFF  }
0xb7: {  	_ =	strace $0x90000048  }
0xb8: {  	_ =	sfence  }
0xb9: {  	s30 =	sld [smem:$0x0];
	_ =	sdelay $0x2  }
0xba: {  	s31 =	sshll.u32 s1, $0xD;
	s1 =	sshrl.u32 s1, $0x2  }
0xbb: {  	s3 =	sand.u32 $0x4000, s31;
	s1 =	sadd.s32 s1, s30  }
0xbc: {  	s0 =	sor.u32 s3, s0;
	s1 =	sshll.u32 s1, $0x11  }
0xbd: {  	s0 =	sor.u32 s1, s0  }
0xbe: {  	s0 =	sadd.s32 $0x8F2B, s0  }
0xbf: {  	[sflag:s0] =	ssyncadd.remote.s32 $0x1  }
0xc0: {  	_ =	sfence.sel $0xFFFF  }
0xc1: {  	[dreg:$0x0] =	wrdreg $0xFFFFFFFF;
	(pc) =	sbr.abs _section_cstart, $3  }
0xc2: {  	[dreg:$0x1] =	wrdreg $0xFFFFFFFF  }
0xc3: {  	_ =	task.clear_ibuf [dreg:s8], $0x2FFFF;
	_ =	strace $0x9FFFFFFF  }
0xc4: {  	(tm) =	ssettm $0x7FFFFFFF  }
0xc5: {  	_ =	shalt  }
tec
execute0_lowered:
.L_overlay_start_1:
0x0: {  	(tag) =	ssettag $0x1  }
0x1: {  	s3 =	rddreg [dreg:$0x0]  }
0x2: {  	s4 =	rddreg [dreg:$0x1]  }
0x3: {  	s5 =	rddreg [dreg:$0x2]  }
0x4: {  	s0 =	rddreg [dreg:$0x3]  }
0x5: {  	s2 =	simm.s32 $0x0;
	s6 =	srdreg.scid;
	s1 =	stileid.u32  }
0x6: {  	s11 =	simm.s32 $0x4000;
	s12 =	simm.s32 $0x3;
	s13 =	simm.s32 $0x4010  }
0x7: {  	s14 =	simm.s32 $0x0;
	[smem:$0x7FF] =	sst s2;
	s7 =	sand.u32 $0x1, s6  }
0x8: {  	s6 =	sshll.u32 s6, $0xD;
	s9 =	sshll.u32 s1, $0xE;
	s31 =	sshll.u32 s1, $0x2  }
0x9: {  	s8 =	ssub.s32 $0x2, s7;
	s6 =	sand.u32 $0x2000, s6;
	_ =	strace $0x80000047  }
0xa: {  	s7 =	sshll.u32 s7, $0x1;
	s10 =	sshrl.u32 s8, $0x1;
	s6 =	sor.u32 s6, s9  }
0xb: {  	s7 =	sor.u32 s7, s31;
	s9 =	simm.s32 $0x1;
	s6 =	sshrl.u32 s6, $0x3  }
0xc: {  	s8 =	ssub.s32 s8, s10;
	s5 =	sadd.s32 s5, s7;
	s10 =	simm.s32 $0x2  }
0xd: {  	s6 =	sor.u32 $0xF8000, s6;
	s7 =	smax.u32 s8, $0x1;
	s8 =	simm.s32 $0x2000  }
0xe: {  	s3 =	sadd.s32 s3, s6;
	s4 =	sadd.s32 s4, s6;
	s6 =	sadd.s32 $0x40, s5  }
.LBB2_1:
0xf: {  	[tilespmem:s2], [sflag:$0x1] =	stream.linear.gather [hbm4b:s3+s2], $0x2000, $0x38;
	[tilespmem:$0x4080] =	vst v63  }
0x10: {  	_ = 	snop  }
0x11: {  	[tilespmem:s8], [sflag:$0x2] =	stream.linear.gather [hbm4b:s4+s2], $0x2000, $0x38;
	[tilespmem:$0x4080] =	vst v63  }
0x12: {  	_ =	swait.ge [sflag:s9], $0x2000  }
0x13: {  	[sflag:s9] =	ssyncset.done $0x0  }
0x14: {  	[sflag:s9] =	ssyncadd.s32 $0xFFFFE000  }
0x15: {  	s15 =	sand.u32 $0x1C00, s2;
	s16 =	sand.u32 $0x380, s2;
	_ =	swait.ge [sflag:s10], $0x2000  }
0x16: {  	s17 =	sand.u32 $0x40, s2;
	s15 =	sor.u32 s16, s15;
	[sflag:s10] =	ssyncset.done $0x0  }
0x17: {  	s15 =	sor.u32 s17, s15;
	[sflag:s10] =	ssyncadd.s32 $0xFFFFE000  }
0x18: {  	v0 =	vld [tilespmem:s15+$0x10]  }
0x19: {  	v8 =	vld [tilespmem:s15+$0x2010];
	_ =	sdelay $0x4  }
0x1a: {  	v0 =	vsub.f32 v0, v8  }
0x1b: {  	v5 =	vld [tilespmem:s15+$0x2000]  }
0x1c: {  	v3 =	vld [tilespmem:s15+$0x0];
	v0 =	vand.u32 $0x7FFFFFFF, v0  }
0x1d: {  	v4 =	vsub.f32 $1.000000000e+00, v0  }
0x1e: {  	v1 =	vld [tilespmem:s15+$0x2020]  }
0x1f: {  	v0 =	vld [tilespmem:s15+$0x20];
	v2 =	vand.u32 $0x7FFFFF, v4  }
0x20: {  	v2 =	vor.u32 $0x3F800000, v2  }
0x21: {  	v3 =	vsub.f32 v3, v5;
	v6 =	vadd.f32 $-1.000000000e+00, v2;
	_ =	sdelay $0x1  }
0x22: {  	v7 =	vld [tilespmem:s15+$0x30];
	v3 =	vand.u32 $0x7FFFFFFF, v3;
	v9 =	vmul.f32 $1.539135280e-01, v6  }
0x23: {  	s29 =	simm.s32 $0x8;
	s30 =	simm.s32 $0x200;
	v10 =	vsub.f32 $1.000000000e+00, v3;
	v2 =	vld [tilespmem:s15+$0x2030];
	v0 =	vsub.f32 v0, v1  }
0x24: {  	s31 =	simm.s32 $0x40;
	s16 =	sand.u32 $0x1C00, s30;
	s15 =	sand.u32 $0x380, s29;
	v3 =	vadd.f32 $-5.677521230e-01, v9  }
0x25: {  	s17 =	sand.u32 $0x40, s31;
	s15 =	sor.u32 s15, s16;
	v0 =	vand.u32 $0x7FFFFFFF, v0;
	v9 =	vand.u32 $0x7FFFFF, v10  }
0x26: {  	s15 =	sor.u32 s17, s15;
	v11 =	vsub.f32 $1.000000000e+00, v0;
	v0 =	vor.u32 $0x3F800000, v9;
	v3 =	vmul.f32 v3, v6  }
0x27: {  	v17 =	vshrl.u32 v4, $0x17;
	v14 =	vld [tilespmem:s15+$0x10];
	v12 =	vadd.f32 $-1.000000000e+00, v0  }
0x28: {  	v17 =	vcvt.s32.f32 v17;
	v4 =	vld [tilespmem:s15+$0x2020];
	v7 =	vsub.f32 v7, v2;
	v13 =	vadd.f32 $1.413485410e+00, v3  }
0x29: {  	v18 =	vld [tilespmem:s15+$0x30];
	v10 =	vshrl.u32 v10, $0x17;
	v9 =	vimm.f32 $0.0e+00;
	v16 =	vmul.f32 $1.539135280e-01, v12  }
0x2a: {  	v15 =	vand.u32 $0x7FFFFF, v11;
	v7 =	vand.u32 $0x7FFFFFFF, v7;
	v13 =	vmul.f32 v13, v6;
	v6 =	vld [tilespmem:s15+$0x2010]  }
0x2b: {  	v19 =	vld [tilespmem:s15+$0x0];
	v15 =	vor.u32 $0x3F800000, v15;
	v7 =	vsub.f32 $1.000000000e+00, v7;
	v16 =	vadd.f32 $-5.677521230e-01, v16  }
0x2c: {  	v0 =	vld [tilespmem:s15+$0x2030];
	v11 =	vshrl.u32 v11, $0x17;
	v28 =	vadd.f32 $-1.000000000e+00, v15;
	v13 =	vadd.f32 $-1.269986650e+02, v13  }
0x2d: {  	v3 =	vld [tilespmem:s15+$0x2000];
	v15 =	vand.u32 $0x7FFFFF, v7;
	v20 =	vshrl.u32 v7, $0x17;
	v16 =	vmul.f32 v16, v12  }
0x2e: {  	v21 =	vld [tilespmem:s15+$0x20];
	v20 =	vcvt.s32.f32 v20;
	v13 =	vadd.f32 v17, v13;
	v17 =	vcvt.s32.f32 v10  }
0x2f: {  	v10 =	vmul.f32 $1.539135280e-01, v28;
	v16 =	vadd.f32 $1.413485410e+00, v16;
	v14 =	vsub.f32 v14, v6  }
0x30: {  	v7 =	vadd.f32 v13, v9;
	v8 =	vmul.f32 v13, v8;
	v13 =	vor.u32 $0x3F800000, v15  }
0x31: {  	v10 =	vadd.f32 $-5.677521230e-01, v10;
	v22 =	vmul.f32 v16, v12;
	v12 =	vsub.f32 v18, v0  }
0x32: {  	v15 =	vsub.f32 v19, v3;
	v19 =	vcvt.s32.f32 v11;
	v24 =	vadd.f32 $-1.000000000e+00, v13  }
0x33: {  	v14 =	vand.u32 $0x7FFFFFFF, v14;
	v13 =	vsub.f32 v21, v4;
	v8 =	vadd.f32 v8, v9  }
0x34: {  	v11 =	vsub.f32 $1.000000000e+00, v14;
	v14 =	vand.u32 $0x7FFFFFFF, v15;
	v12 =	vand.u32 $0x7FFFFFFF, v12  }
0x35: {  	v10 =	vmul.f32 v10, v28;
	v16 =	vmul.f32 $1.539135280e-01, v24;
	v13 =	vand.u32 $0x7FFFFFFF, v13  }
0x36: {  	v25 =	vsub.f32 $1.000000000e+00, v14;
	v14 =	vimm.f32 $0.0e+00;
	v15 =	vand.u32 $0x7FFFFF, v11  }
0x37: {  	v10 =	vadd.f32 $1.413485410e+00, v10;
	v18 =	vor.u32 $0x3F800000, v15;
	v15 =	vsub.f32 $1.000000000e+00, v13  }
0x38: {  	v13 =	vadd.f32 $-5.677521230e-01, v16;
	v16 =	vsub.f32 $1.000000000e+00, v12;
	v29 =	vand.u32 $0x7FFFFF, v25  }
0x39: {  	v23 =	vadd.f32 $-1.000000000e+00, v18;
	v18 =	vshrl.u32 v11, $0x17;
	v28 =	vmul.f32 v10, v28  }
0x3a: {  	v10 =	vimm.f32 $0.0e+00;
	v11 =	vand.u32 $0x7FFFFF, v15;
	v12 =	vmul.f32 v13, v24  }
0x3b: {  	v21 =	vand.u32 $0x7FFFFF, v16;
	v13 =	vmul.f32 $1.539135280e-01, v23;
	v11 =	vor.u32 $0x3F800000, v11  }
0x3c: {  	v26 =	vadd.f32 $-1.000000000e+00, v11;
	v30 =	vadd.f32 $1.413485410e+00, v12;
	v11 =	vimm.f32 $0.0e+00  }
0x3d: {  	s18 =	simm.s32 $0x80;
	s16 =	simm.s32 $0x400;
	s15 =	simm.s32 $0x10;
	v12 =	vimm.f32 $0.0e+00;
	v27 =	vadd.f32 $-5.677521230e-01, v13;
	v13 =	vimm.f32 $0.0e+00  }
.LBB2_2:
0x3e: {  	s19 =	sand.u32 $0x1C00, s16  }
0x3f: {  	s20 =	sand.u32 $0x380, s15;
	v29 =	vor.u32 $0x3F800000, v29;
	v22 =	vadd.f32 $-1.269986650e+02, v22;
	v24 =	vmul.f32 v30, v24;
	v31 =	vmovc v26;
	s21 =	smov.u32 s18;
	s17 =	sadd.s32 $0x40, s18  }
0x40: {  	p0 =	sne.s32 s18, $0x1FC0;
	s21 =	sand.u32 $0x40, s21;
	s19 =	sor.u32 s20, s19;
	v26 =	vadd.f32 $-1.000000000e+00, v29;
	v27 =	vmul.f32 v27, v23;
	v28 =	vadd.f32 $-1.269986650e+02, v28  }
0x41: {  	v25 =	vshrl.u32 v25, $0x17;
	s18 =	sor.u32 s21, s19;
	v17 =	vadd.f32 v17, v22;
	v22 =	vadd.f32 $-1.269986650e+02, v24  }
0x42: {  	v24 =	vld [tilespmem:s18+$0x2030];
	v29 =	vmul.f32 $1.539135280e-01, v26;
	v27 =	vadd.f32 $1.413485410e+00, v27;
	v19 =	vadd.f32 v19, v28  }
0x43: {  	v28 =	vld [tilespmem:s18+$0x10];
	v9 =	vadd.f32 v17, v9;
	v17 =	vmul.f32 v17, v5;
	v20 =	vadd.f32 v20, v22;
	v5 =	vmovc v3  }
0x44: {  	v3 =	vld [tilespmem:s18+$0x2000];
	v22 =	vmul.f32 v27, v23;
	v14 =	vadd.f32 v19, v14;
	v19 =	vmul.f32 v19, v1;
	v1 =	vmovc v4  }
0x45: {  	v23 =	vadd.f32 $-5.677521230e-01, v29;
	v4 =	vld [tilespmem:s18+$0x2020];
	v13 =	vadd.f32 v20, v13;
	v20 =	vmul.f32 v20, v2;
	v2 =	vmovc v0  }
0x46: {  	v18 =	vcvt.s32.f32 v18;
	v27 =	vld [tilespmem:s18+$0x2010];
	v22 =	vadd.f32 $-1.269986650e+02, v22;
	v11 =	vadd.f32 v19, v11  }
0x47: {  	v12 =	vadd.f32 v17, v12;
	v23 =	vmul.f32 v23, v26;
	v19 =	vld [tilespmem:s18+$0x30];
	v10 =	vadd.f32 v20, v10;
	v0 =	vmovc v24  }
0x48: {  	v15 =	vshrl.u32 v15, $0x17;
	v16 =	vshrl.u32 v16, $0x17;
	v20 =	vld [tilespmem:s18+$0x0];
	v18 =	vadd.f32 v18, v22  }
0x49: {  	v17 =	vcvt.s32.f32 v25;
	v22 =	vadd.f32 $1.413485410e+00, v23;
	v23 =	vmul.f32 $1.539135280e-01, v31;
	v29 =	vld [tilespmem:s18+$0x20]  }
0x4a: {  	v21 =	vor.u32 $0x3F800000, v21;
	v7 =	vadd.f32 v18, v7;
	v18 =	vmul.f32 v18, v6  }
0x4b: {  	v22 =	vmul.f32 v22, v26;
	v23 =	vadd.f32 $-5.677521230e-01, v23;
	v24 =	vsub.f32 v28, v27;
	v6 =	vmovc v27  }
0x4c: {  	v25 =	vsub.f32 v19, v0;
	v8 =	vadd.f32 v18, v8;
	v19 =	vcvt.s32.f32 v15  }
0x4d: {  	v15 =	vsub.f32 v20, v3;
	v18 =	vand.u32 $0x7FFFFFFF, v24;
	v24 =	vadd.f32 $-1.000000000e+00, v21  }
0x4e: {  	v20 =	vcvt.s32.f32 v16;
	v18 =	vsub.f32 $1.000000000e+00, v18;
	v21 =	vsub.f32 v29, v4  }
0x4f: {  	v26 =	vand.u32 $0x7FFFFFFF, v25;
	v16 =	vand.u32 $0x7FFFFFFF, v15;
	v25 =	vmul.f32 $1.539135280e-01, v24  }
0x50: {  	v27 =	vmul.f32 v23, v31;
	v15 =	vand.u32 $0x7FFFFF, v18;
	v21 =	vand.u32 $0x7FFFFFFF, v21  }
0x51: {  	v23 =	vor.u32 $0x3F800000, v15;
	v15 =	vsub.f32 $1.000000000e+00, v21;
	v21 =	vadd.f32 $-5.677521230e-01, v25  }
.Ltmp0:
0x52: {  	v18 =	vshrl.u32 v18, $0x17;
	v25 =	vsub.f32 $1.000000000e+00, v16;
	v23 =	vadd.f32 $-1.000000000e+00, v23;
	(pc) =	sbr.rel @p0 .LBB2_2-.Ltmp0, $4  }
0x53: {  	v16 =	vsub.f32 $1.000000000e+00, v26;
	v28 =	vand.u32 $0x7FFFFF, v15;
	v21 =	vmul.f32 v21, v24  }
0x54: {  	v32 =	vmul.f32 $1.539135280e-01, v23;
	v26 =	vor.u32 $0x3F800000, v28;
	v28 =	vadd.f32 $1.413485410e+00, v27  }
0x55: {  	v29 =	vand.u32 $0x7FFFFF, v25;
	v26 =	vadd.f32 $-1.000000000e+00, v26;
	v30 =	vadd.f32 $1.413485410e+00, v21  }
0x56: {  	s15 =	sadd.s32 $0x8, s15;
	s16 =	sadd.s32 $0x200, s16;
	s18 =	smov.u32 s17;
	v21 =	vand.u32 $0x7FFFFF, v16;
	v27 =	vadd.f32 $-5.677521230e-01, v32;
	v28 =	vmul.f32 v28, v31  }
0x57: {  	v29 =	vor.u32 $0x3F800000, v29  }
0x58: {  	v22 =	vadd.f32 $-1.269986650e+02, v22;
	v24 =	vmul.f32 v30, v24;
	v39 =	vshrl.u32 v25, $0x17  }
0x59: {  	v43 =	vor.u32 $0x3F800000, v21;
	v45 =	vmul.f32 $1.539135280e-01, v26;
	v29 =	vadd.f32 $-1.000000000e+00, v29  }
0x5a: {  	v18 =	vcvt.s32.f32 v18;
	v55 =	vshrl.u32 v15, $0x17;
	v24 =	vadd.f32 $-1.269986650e+02, v24  }
0x5b: {  	v16 =	vshrl.u32 v16, $0x17;
	v28 =	vadd.f32 $-1.269986650e+02, v28;
	v41 =	vmul.f32 $1.539135280e-01, v29  }
0x5c: {  	v27 =	vmul.f32 v27, v23;
	v17 =	vadd.f32 v17, v22;
	v42 =	vadd.f32 v20, v24  }
0x5d: {  	v56 =	vcvt.s32.f32 v39;
	v20 =	vadd.f32 $-1.000000000e+00, v43;
	v44 =	vadd.f32 $-5.677521230e-01, v41  }
0x5e: {  	v58 =	vcvt.s32.f32 v16;
	v48 =	vadd.f32 $-5.677521230e-01, v45;
	v19 =	vadd.f32 v19, v28  }
0x5f: {  	v40 =	vadd.f32 $1.413485410e+00, v27;
	v49 =	vmul.f32 $1.539135280e-01, v20;
	v47 =	vmul.f32 v44, v29  }
0x60: {  	v5 =	vmul.f32 v17, v5;
	v21 =	vmul.f32 v48, v26;
	v14 =	vadd.f32 v19, v14  }
0x61: {  	v1 =	vmul.f32 v19, v1;
	v51 =	vadd.f32 $-5.677521230e-01, v49;
	v19 =	vadd.f32 $1.413485410e+00, v47  }
0x62: {  	v9 =	vadd.f32 v17, v9;
	v46 =	vmul.f32 v40, v23;
	v5 =	vadd.f32 v5, v12  }
0x63: {  	v54 =	vadd.f32 $1.413485410e+00, v21;
	v53 =	vmul.f32 v51, v20;
	v52 =	vmul.f32 v19, v29  }
0x64: {  	v2 =	vmul.f32 v42, v2;
	v50 =	vadd.f32 $-1.269986650e+02, v46;
	v1 =	vadd.f32 v1, v11  }
0x65: {  	v19 =	vmul.f32 v54, v26;
	v12 =	vadd.f32 $1.413485410e+00, v53;
	v11 =	vadd.f32 $-1.269986650e+02, v52  }
0x66: {  	v2 =	vadd.f32 v2, v10;
	v10 =	vcvt.s32.f32 v55;
	v17 =	vadd.f32 v18, v50  }
0x67: {  	v57 =	vadd.f32 $-1.269986650e+02, v19;
	v12 =	vmul.f32 v12, v20;
	v11 =	vadd.f32 v56, v11  }
0x68: {  	v13 =	vadd.f32 v42, v13;
	v7 =	vadd.f32 v17, v7;
	v6 =	vmul.f32 v17, v6  }
0x69: {  	v10 =	vadd.f32 v10, v57;
	v12 =	vadd.f32 $-1.269986650e+02, v12;
	v3 =	vmul.f32 v11, v3  }
0x6a: {  	v6 =	vadd.f32 v6, v8;
	v59 =	vadd.f32 v11, v9  }
0x6b: {  	v4 =	vmul.f32 v10, v4;
	v60 =	vadd.f32 v58, v12;
	v3 =	vadd.f32 v3, v5  }
0x6c: {  	v61 =	vadd.f32 v10, v14;
	v7 =	vadd.f32 v7, v59  }
0x6d: {  	v1 =	vadd.f32 v4, v1;
	v0 =	vmul.f32 v60, v0;
	v3 =	vadd.f32 v6, v3  }
0x6e: {  	v62 =	vadd.f32 v60, v13;
	v5 =	vadd.f32 v61, v7  }
0x6f: {  	v0 =	vadd.f32 v0, v2;
	v1 =	vadd.f32 v1, v3  }
0x70: {  	v63 =	vadd.f32 v62, v5  }
0x71: {  	v0 =	vadd.f32 v0, v1  }
0x72: {  	[tilespmem:$0x4000] =	vst v63  }
0x73: {  	[tilespmem:$0x4010] =	vst v0  }
0x74: {  	[hbm4b:s5+s2] =	stream.linear.scatter [tilespmem:s11], [sflag:$0x3], $0x10, $0x38;
	[tilespmem:$0x4080] =	vst v63  }
0x75: {  	s14 =	sadd.s32 $0x1, s14;
	_ =	swait.ge [sflag:s12], $0x10  }
0x76: {  	p0 =	sne.s32 s14, s7;
	[sflag:s12] =	ssyncset.done $0x0  }
.Ltmp1:
0x77: {  	[sflag:s12] =	ssyncadd.s32 $0xFFFFFFF0;
	(pc) =	sbr.rel @p0 .LBB2_1-.Ltmp1, $4  }
0x78: {  	[hbm4b:s6+s2] =	stream.linear.scatter [tilespmem:s13], [sflag:$0x3], $0x10, $0x38;
	[tilespmem:$0x4080] =	vst v63  }
0x79: {  	_ =	swait.ge [sflag:s12], $0x10  }
0x7a: {  	[sflag:s12] =	ssyncset.done $0x0  }
0x7b: {  	[sflag:s12] =	ssyncadd.s32 $0xFFFFFFF0  }
0x7c: {  	_ =	sfence.sel $0x180000  }
0x7d: {  	[bflag:$0x0] =	sbarrier.arrive $0xFFFF  }
0x7e: {  	p0 =	sne.s32 s1, $0x0;
	_ =	strace $0x90000047  }
0x7f: {  	s0 =	sadd.s32 @!p0 $0x100000, s0;
	[bflag:$0x2] =	sbarrier.arrive $0xFFFF  }
0x80: {  	[sflag:s0] =	ssyncadd.tile.s32 @!p0 $0x1;
	_ =	shalt  }
.Lfunc_end2:
_tile_overlayer_lowered:
.L_overlay_start_2:
0x81: {  	(tag) =	ssettag $0x2  }
0x82: {  	s0 =	rddreg [dreg:$0x0];
	s2 =	stileid.u32  }
0x83: {  	s1 =	rddreg [dreg:$0x1];
	p0 =	sne.s32 s2, $0x0  }
0x84: {  	s3 =	rddreg [dreg:$0x2];
	[bflag:$0x3] =	sbarrier.arrive $0xFFFF;
	s2 =	simm.s32 @!p0 $0x1C03  }
0x85: {  	[timem:s3], [sflag:s2] =	dma.local @!p0 [hbm:s0], s1  }
0x86: {  	s0 =	simm.s32 @!p0 $0x3  }
0x87: {  	_ =	swait.ge @!p0 [sflag:s0], s1  }
0x88: {  	s1 =	ssub.s32 @!p0 $0x0, s1;
	[sflag:s0] =	ssyncset.done @!p0 $0x0  }
0x89: {  	[sflag:s0] =	ssyncadd.s32 @!p0 s1  }
0x8a: {  	[bflag:$0x3] =	sbarrier.arrive $0xFFFF  }
0x8b: {  	_ =	shalt  }

</sc_bundles>
